<compile_context>
chip_gen: v7x
topology: tpu7x:2x2x1
jax: 0.10.2.dev20260603
libtpu: 0.0.44.dev20260713+nightly
codegen_flags: <defaults>
</compile_context>

<pallas_src>
import functools

import jax
import jax.numpy as jnp
from jax import lax
from jax.experimental import pallas as pl
from jax.experimental.pallas import tpu as pltpu
from jax.experimental.pallas import tpu_sc as plsc

_NC = 2
_NS = 16
_NW = _NC * _NS


_CPAD = 256


def _stage1_kernel(attn_ref, c_ref, idx_ref, pooled_ref):
    coarse = attn_ref[0, 0]
    for h in range(1, 8):
        coarse = coarse + attn_ref[0, h]
    coarse = coarse * 0.125

    idx = jnp.argmax(coarse, axis=1, keepdims=True)
    idx_ref[0] = idx + pl.program_id(0) * 256

    n = lax.broadcasted_iota(jnp.int32, (4096, 256), 0)
    l = lax.broadcasted_iota(jnp.int32, (4096, 256), 1)
    s = (((n // 256) * 16 + (n % 64) // 4) == l).astype(jnp.float32)
    cc = c_ref[0]
    cc = jnp.concatenate(
        [cc, jnp.zeros((_CPAD - cc.shape[0], cc.shape[1]), cc.dtype)], axis=0)
    pooled_ref[0] = lax.dot_general(
        s, cc, (((0,), (1,)), ((), ())),
        preferred_element_type=jnp.float32)


def _sc_gather(table_hbm, idx_hbm, out_hbm, idx_v, rows_v, sem):
    wid = lax.axis_index("s") * _NC + lax.axis_index("c")
    rows_per_w = 1024 // _NW
    base = wid * rows_per_w
    pltpu.sync_copy(idx_hbm.at[pl.ds(base, rows_per_w)], idx_v)
    pltpu.async_copy(table_hbm.at[idx_v], rows_v, sem).wait()
    pltpu.sync_copy(rows_v, out_hbm.at[pl.ds(base, rows_per_w)])


def _stage3_kernel(g_ref, out_ref):
    n = lax.broadcasted_iota(jnp.int32, (4096, 256), 0)
    l = lax.broadcasted_iota(jnp.int32, (4096, 256), 1)
    s = (((n // 256) * 16 + (n % 64) // 4) == l).astype(jnp.float32)
    out = lax.dot_general(
        g_ref[0], s, (((0,), (1,)), ((), ())),
        preferred_element_type=jnp.float32)
    out_ref[0] = out[:192] * 0.0625


def kernel(A, B, C, D, attn):
    Bn, Cc, H, W = C.shape
    N = H * W
    c2 = C.reshape(Bn, Cc, N)

    idx, pooled = pl.pallas_call(
        _stage1_kernel,
        grid=(Bn,),
        in_specs=[
            pl.BlockSpec((1, 8, 256, 256), lambda b: (b, 0, 0, 0)),
            pl.BlockSpec((1, Cc, N), lambda b: (b, 0, 0)),
        ],
        out_specs=[
            pl.BlockSpec((1, 256, 1), lambda b: (b, 0, 0)),
            pl.BlockSpec((1, 256, _CPAD), lambda b: (b, 0, 0)),
        ],
        out_shape=[
            jax.ShapeDtypeStruct((Bn, 256, 1), jnp.int32),
            jax.ShapeDtypeStruct((Bn, 256, _CPAD), jnp.float32),
        ],
    )(attn, c2)

    table = pooled.reshape(Bn * 256, _CPAD)
    idx_flat = idx.reshape(Bn * 256)

    mesh = plsc.VectorSubcoreMesh(core_axis_name="c", subcore_axis_name="s")
    rows_per_w = (Bn * 256) // _NW
    sc_gather = functools.partial(
        pl.kernel,
        mesh=mesh,
        out_type=jax.ShapeDtypeStruct((Bn * 256, _CPAD), jnp.float32),
        scratch_types=[
            pltpu.VMEM((rows_per_w,), jnp.int32),
            pltpu.VMEM((rows_per_w, _CPAD), jnp.float32),
            pltpu.SemaphoreType.DMA,
        ],
    )(_sc_gather)
    g = sc_gather(table, idx_flat)

    out = pl.pallas_call(
        _stage3_kernel,
        grid=(Bn,),
        in_specs=[pl.BlockSpec((1, 256, _CPAD), lambda b: (b, 0, 0))],
        out_specs=pl.BlockSpec((1, Cc, N), lambda b: (b, 0, 0)),
        out_shape=jax.ShapeDtypeStruct((Bn, Cc, N), jnp.float32),
    )(g.reshape(Bn, 256, _CPAD))
    return out.reshape(Bn, Cc, H, W)

# --- scband reference (transcript-rebuilt; emitter-appended) ---
"""Pipeline reference for scband-cross-attention-455266534011 (READ-ONLY COPY).

The authoritative reference and input builder live on the scoring server;
editing this copy changes nothing except your own understanding.
"""

import jax, jax.numpy as jnp
import numpy as np

RATIO = 4
K_SAMPLES = 1


def setup_inputs(seed: int = 0) -> dict:
    key = jax.random.key(seed)
    k1, k2, k3, k4, k5 = jax.random.split(key, 5)
    A = jax.random.normal(k1, (4, 192, 64, 64), dtype=jnp.float32)
    B = jax.random.normal(k2, (4, 192, 64, 64), dtype=jnp.float32)
    C = jax.random.normal(k3, (4, 192, 64, 64), dtype=jnp.float32)
    D = jax.random.normal(k4, (4, 192, 64, 64), dtype=jnp.float32)
    attn = jax.random.uniform(k5, (4, 8, 256, 256), dtype=jnp.float32)
    return {"A": A, "B": B, "C": C, "D": D, "attn": attn}


def _guided_resampler(v_high_feat, coarse_attn_map, ratio=RATIO, k_samples=K_SAMPLES):
    Bn, Cc, H, W = v_high_feat.shape
    H_low, W_low = H // ratio, W // ratio
    N_high = H * W
    N_low = H_low * W_low
    assert coarse_attn_map.shape == (Bn, N_low, N_low)
    # flatten(2).transpose(1,2)
    v_high_seq = v_high_feat.reshape(Bn, Cc, N_high).transpose(0, 2, 1)  # [B, N_high, C]
    topk_values, topk_idx = jax.lax.top_k(coarse_attn_map, k_samples)  # [B, N_low, k]
    topk_row = topk_idx // W_low
    topk_col = topk_idx % W_low
    tl_row = topk_row * ratio
    tl_col = topk_col * ratio
    gy, gx = jnp.meshgrid(jnp.arange(ratio), jnp.arange(ratio), indexing="ij")
    delta = jnp.stack([gy, gx], axis=-1).reshape(-1, 2)  # [r^2, 2]
    topleft = jnp.stack([tl_row, tl_col], axis=-1)  # [B, N_low, k, 2]
    sparse_2d = topleft[:, :, :, None, :] + delta.reshape(1, 1, 1, -1, 2)  # [B, N_low, k, r^2, 2]
    sparse_1d = (sparse_2d[..., 0] * W + sparse_2d[..., 1]).reshape(Bn, N_low, -1)  # [B, N_low, k*r^2]
    qy, qx = jnp.meshgrid(jnp.arange(H), jnp.arange(W), indexing="ij")
    coords = jnp.stack([qy, qx], axis=-1).reshape(-1, 2)  # [N_high, 2]
    low_grid = coords[:, 0] // ratio * W_low + coords[:, 1] // ratio  # [N_high]
    Ksp = sparse_1d.shape[-1]
    low_exp = jnp.broadcast_to(low_grid.reshape(1, N_high, 1), (Bn, N_high, Ksp))
    final_idx = jnp.take_along_axis(sparse_1d, low_exp, axis=1)  # [B, N_high, Ksp]
    b_idx = jnp.arange(Bn).reshape(Bn, 1, 1)
    v_sparse = v_high_seq[b_idx, final_idx]  # [B, N_high, Ksp, C]  (big gather)
    w_low = jax.nn.softmax(topk_values, axis=-1)  # [B, N_low, k]
    low_exp_w = jnp.broadcast_to(low_grid.reshape(1, N_high, 1), (Bn, N_high, k_samples))
    w_high = jnp.take_along_axis(w_low, low_exp_w, axis=1)  # [B, N_high, k]
    v_resh = v_sparse.reshape(Bn, N_high, k_samples, ratio * ratio, Cc)
    wb = (w_high / (ratio * ratio)).reshape(Bn, N_high, k_samples, 1, 1)
    warped = (v_resh * wb).sum(axis=(2, 3))  # [B, N_high, C]
    return warped.transpose(0, 2, 1).reshape(Bn, Cc, H, W)


def reference(A, B, C, D, attn):
    coarse = attn.mean(axis=1)  # [B, N_low, N_low]
    return _guided_resampler(C, coarse)

if __name__ == "__main__":
    import jax
    _d = setup_inputs()
    print(jax.jit(kernel)(*tuple(_d.values())))

</pallas_src>

<mosaic_0001>
#map = affine_map<(d0, d1) -> (0, 0)>
#map1 = affine_map<(d0, d1) -> (0)>
module attributes {stable_mosaic.version = 14 : i64} {
  func.func @_sc_gather(%arg0: i32, %arg1: i32, %arg2: memref<1024x256xf32, #tpu.memory_space<hbm>>, %arg3: memref<1024xi32, #tpu.memory_space<hbm>>, %arg4: memref<1024x256xf32, #tpu.memory_space<hbm>>, %arg5: memref<32xi32, #tpu.memory_space<vmem>>, %arg6: memref<32x256xf32, #tpu.memory_space<vmem>>, %arg7: memref<!tpu.dma_semaphore, #tpu.memory_space<semaphore_mem>>) attributes {dimension_semantics = [#tpu.dimension_semantics<core_parallel>, #tpu.dimension_semantics<subcore_parallel>], iteration_bounds = array<i64: 2, 16>, scalar_prefetch = 0 : i64, scratch_operands = 3 : i64, tpu.core_type = #tpu.core_type<sc_vector_subcore>, window_params = [{transform_indices = #map}, {transform_indices = #map1}, {transform_indices = #map}]} {
    %mul3A = arith.constant 2 : i32
    %mul3A_0 = arith.muli %arg1, %mul3A : i32
    %add3A = arith.addi %mul3A_0, %arg0 : i32
    %mul3A_1 = arith.constant 32 : i32
    %mul3A_2 = arith.muli %add3A, %mul3A_1 : i32
    "tpu.region"() ({
      %run_scoped3A = tpu.sem_alloc : memref<!tpu.dma_semaphore, #tpu.memory_space<semaphore_mem>>
      %dma_start3A_7 = tpu.memref_slice %arg3[%mul3A_2] : memref<1024xi32, #tpu.memory_space<hbm>> -> memref<32xi32, #tpu.memory_space<hbm>>
      %dma_start3A_8 = tpu.memref_slice %arg3[%mul3A_2] : memref<1024xi32, #tpu.memory_space<hbm>> -> memref<32xi32, #tpu.memory_space<hbm>>
      tpu.enqueue_dma source(%dma_start3A_8 : memref<32xi32, #tpu.memory_space<hbm>>) target(%arg5 : memref<32xi32, #tpu.memory_space<vmem>>) target_semaphore(%run_scoped3A : memref<!tpu.dma_semaphore, #tpu.memory_space<semaphore_mem>>)
      %dma_wait3A_9 = tpu.memref_slice %arg3[%mul3A_2] : memref<1024xi32, #tpu.memory_space<hbm>> -> memref<32xi32, #tpu.memory_space<hbm>>
      %dma_wait3A_10 = tpu.memref_slice %arg3[%mul3A_2] : memref<1024xi32, #tpu.memory_space<hbm>> -> memref<32xi32, #tpu.memory_space<hbm>>
      tpu.wait_dma2 semaphore(%run_scoped3A : memref<!tpu.dma_semaphore, #tpu.memory_space<semaphore_mem>>) src(%dma_wait3A_10 : memref<32xi32, #tpu.memory_space<hbm>>) dst(%arg5 : memref<32xi32, #tpu.memory_space<vmem>>)
      tpu.yield
    }) : () -> ()
    %dma_start3A = arith.constant 0 : i32
    %dma_start3A_3 = arith.constant 0 : i32
    %dma_start3A_4 = tpu.memref_slice %arg2[%dma_start3A, %dma_start3A_3] : memref<1024x256xf32, #tpu.memory_space<hbm>> -> memref<1024x256xf32, #tpu.memory_space<hbm>>
    tpu.enqueue_indirect_dma source(%dma_start3A_4 : memref<1024x256xf32, #tpu.memory_space<hbm>>) target(%arg6 : memref<32x256xf32, #tpu.memory_space<vmem>>) offsets(%arg5 : memref<32xi32, #tpu.memory_space<vmem>>) semaphore(%arg7 : memref<!tpu.dma_semaphore, #tpu.memory_space<semaphore_mem>>)
    %dma_wait3A = arith.constant 0 : i32
    %dma_wait3A_5 = arith.constant 0 : i32
    %dma_wait3A_6 = tpu.memref_slice %arg2[%dma_wait3A, %dma_wait3A_5] : memref<1024x256xf32, #tpu.memory_space<hbm>> -> memref<1024x256xf32, #tpu.memory_space<hbm>>
    tpu.wait_indirect_dma semaphore(%arg7 : memref<!tpu.dma_semaphore, #tpu.memory_space<semaphore_mem>>) src(%dma_wait3A_6 : memref<1024x256xf32, #tpu.memory_space<hbm>>) dst(%arg6 : memref<32x256xf32, #tpu.memory_space<vmem>>)
    "tpu.region"() ({
      %run_scoped3A = tpu.sem_alloc : memref<!tpu.dma_semaphore, #tpu.memory_space<semaphore_mem>>
      %dma_start3A_7 = arith.constant 0 : i32
      %dma_start3A_8 = tpu.memref_slice %arg4[%mul3A_2, %dma_start3A_7] : memref<1024x256xf32, #tpu.memory_space<hbm>> -> memref<32x256xf32, #tpu.memory_space<hbm>>
      %dma_start3A_9 = arith.constant 0 : i32
      %dma_start3A_10 = tpu.memref_slice %arg4[%mul3A_2, %dma_start3A_9] : memref<1024x256xf32, #tpu.memory_space<hbm>> -> memref<32x256xf32, #tpu.memory_space<hbm>>
      tpu.enqueue_dma source(%arg6 : memref<32x256xf32, #tpu.memory_space<vmem>>) target(%dma_start3A_10 : memref<32x256xf32, #tpu.memory_space<hbm>>) target_semaphore(%run_scoped3A : memref<!tpu.dma_semaphore, #tpu.memory_space<semaphore_mem>>)
      %dma_wait3A_11 = arith.constant 0 : i32
      %dma_wait3A_12 = tpu.memref_slice %arg4[%mul3A_2, %dma_wait3A_11] : memref<1024x256xf32, #tpu.memory_space<hbm>> -> memref<32x256xf32, #tpu.memory_space<hbm>>
      %dma_wait3A_13 = arith.constant 0 : i32
      %dma_wait3A_14 = tpu.memref_slice %arg4[%mul3A_2, %dma_wait3A_13] : memref<1024x256xf32, #tpu.memory_space<hbm>> -> memref<32x256xf32, #tpu.memory_space<hbm>>
      tpu.wait_dma2 semaphore(%run_scoped3A : memref<!tpu.dma_semaphore, #tpu.memory_space<semaphore_mem>>) src(%arg6 : memref<32x256xf32, #tpu.memory_space<vmem>>) dst(%dma_wait3A_14 : memref<32x256xf32, #tpu.memory_space<hbm>>)
      tpu.yield
    }) : () -> ()
    return
  }
}

module attributes {stable_mosaic.version = 14 : i64} {
  func.func @_stage3_kernel(%arg0: i32, %arg1: memref<1x256x256xf32, #tpu.memory_space<vmem>>, %arg2: memref<1x192x4096xf32, #tpu.memory_space<vmem>>) attributes {dimension_semantics = [#tpu.dimension_semantics<arbitrary>], iteration_bounds = array<i64: 4>, scalar_prefetch = 0 : i64, scratch_operands = 0 : i64, tpu.core_type = #tpu.core_type<tc>, window_params = [{transform_indices = @transform_0, window_bounds = array<i64: 1, 256, 256>}, {transform_indices = @transform_1, window_bounds = array<i64: 1, 192, 4096>}]} {
    %iota3A = tpu.iota {dimensions = array<i32: 0>} : vector<4096x256xi32>
    %iota3A_0 = tpu.iota {dimensions = array<i32: 1>} : vector<4096x256xi32>
    %jit3A = arith.constant 256 : i32
    %div3A = vector.broadcast %jit3A : i32 to vector<4096x256xi32>
    %div3A_1 = arith.divsi %iota3A, %div3A : vector<4096x256xi32>
    %sign3A = arith.constant 0 : i32
    %sign3A_2 = vector.broadcast %sign3A : i32 to vector<4096x256xi32>
    %sign3A_3 = arith.cmpi sgt, %iota3A, %sign3A_2 : vector<4096x256xi32>
    %sign3A_4 = arith.extui %sign3A_3 : vector<4096x256xi1> to vector<4096x256xi32>
    %sign3A_5 = arith.constant 0 : i32
    %sign3A_6 = vector.broadcast %sign3A_5 : i32 to vector<4096x256xi32>
    %sign3A_7 = arith.cmpi slt, %iota3A, %sign3A_6 : vector<4096x256xi32>
    %sign3A_8 = arith.extui %sign3A_7 : vector<4096x256xi1> to vector<4096x256xi32>
    %sign3A_9 = arith.subi %sign3A_4, %sign3A_8 : vector<4096x256xi32>
    %sign3A_10 = arith.constant 0 : i32
    %sign3A_11 = arith.cmpi sgt, %jit3A, %sign3A_10 : i32
    %sign3A_12 = arith.extui %sign3A_11 : i1 to i32
    %sign3A_13 = arith.constant 0 : i32
    %sign3A_14 = arith.cmpi slt, %jit3A, %sign3A_13 : i32
    %sign3A_15 = arith.extui %sign3A_14 : i1 to i32
    %sign3A_16 = arith.subi %sign3A_12, %sign3A_15 : i32
    %ne3A = vector.broadcast %sign3A_16 : i32 to vector<4096x256xi32>
    %ne3A_17 = arith.cmpi ne, %sign3A_9, %ne3A : vector<4096x256xi32>
    %rem3A = vector.broadcast %jit3A : i32 to vector<4096x256xi32>
    %rem3A_18 = arith.remsi %iota3A, %rem3A : vector<4096x256xi32>
    %ne3A_19 = arith.constant 0 : i32
    %ne3A_20 = vector.broadcast %ne3A_19 : i32 to vector<4096x256xi32>
    %ne3A_21 = arith.cmpi ne, %rem3A_18, %ne3A_20 : vector<4096x256xi32>
    %and3A = arith.andi %ne3A_17, %ne3A_21 : vector<4096x256xi1>
    %sub3A = arith.constant 1 : i32
    %sub3A_22 = vector.broadcast %sub3A : i32 to vector<4096x256xi32>
    %sub3A_23 = arith.subi %div3A_1, %sub3A_22 : vector<4096x256xi32>
    %select_n3A = arith.select %and3A, %sub3A_23, %div3A_1 : vector<4096x256xi1>, vector<4096x256xi32>
    %mul3A = arith.constant 16 : i32
    %mul3A_24 = vector.broadcast %mul3A : i32 to vector<4096x256xi32>
    %mul3A_25 = arith.muli %select_n3A, %mul3A_24 : vector<4096x256xi32>
    %jit3A_26 = arith.constant 64 : i32
    %eq3A = arith.constant 0 : i32
    %eq3A_27 = arith.cmpi eq, %jit3A_26, %eq3A : i32
    %jit3A_28 = arith.constant 1 : i32
    %select_n3A_29 = arith.select %eq3A_27, %jit3A_28, %jit3A_26 : i32
    %rem3A_30 = vector.broadcast %select_n3A_29 : i32 to vector<4096x256xi32>
    %rem3A_31 = arith.remsi %iota3A, %rem3A_30 : vector<4096x256xi32>
    %ne3A_32 = arith.constant 0 : i32
    %ne3A_33 = vector.broadcast %ne3A_32 : i32 to vector<4096x256xi32>
    %ne3A_34 = arith.cmpi ne, %rem3A_31, %ne3A_33 : vector<4096x256xi32>
    %lt3A = arith.constant 0 : i32
    %lt3A_35 = vector.broadcast %lt3A : i32 to vector<4096x256xi32>
    %lt3A_36 = arith.cmpi slt, %rem3A_31, %lt3A_35 : vector<4096x256xi32>
    %lt3A_37 = arith.constant 0 : i32
    %lt3A_38 = arith.cmpi slt, %select_n3A_29, %lt3A_37 : i32
    %ne3A_39 = vector.broadcast %lt3A_38 : i1 to vector<4096x256xi1>
    %ne3A_40 = vector.broadcast %ne3A_39 : vector<4096x256xi1> to vector<4096x256xi1>
    %ne3A_41 = arith.xori %lt3A_36, %ne3A_40 : vector<4096x256xi1>
    %and3A_42 = arith.andi %ne3A_41, %ne3A_34 : vector<4096x256xi1>
    %add3A = vector.broadcast %select_n3A_29 : i32 to vector<4096x256xi32>
    %add3A_43 = arith.addi %rem3A_31, %add3A : vector<4096x256xi32>
    %select_n3A_44 = arith.select %and3A_42, %add3A_43, %rem3A_31 : vector<4096x256xi1>, vector<4096x256xi32>
    %jit3A_45 = arith.constant 4 : i32
    %div3A_46 = vector.broadcast %jit3A_45 : i32 to vector<4096x256xi32>
    %div3A_47 = arith.divsi %select_n3A_44, %div3A_46 : vector<4096x256xi32>
    %sign3A_48 = arith.constant 0 : i32
    %sign3A_49 = vector.broadcast %sign3A_48 : i32 to vector<4096x256xi32>
    %sign3A_50 = arith.cmpi sgt, %select_n3A_44, %sign3A_49 : vector<4096x256xi32>
    %sign3A_51 = arith.extui %sign3A_50 : vector<4096x256xi1> to vector<4096x256xi32>
    %sign3A_52 = arith.constant 0 : i32
    %sign3A_53 = vector.broadcast %sign3A_52 : i32 to vector<4096x256xi32>
    %sign3A_54 = arith.cmpi slt, %select_n3A_44, %sign3A_53 : vector<4096x256xi32>
    %sign3A_55 = arith.extui %sign3A_54 : vector<4096x256xi1> to vector<4096x256xi32>
    %sign3A_56 = arith.subi %sign3A_51, %sign3A_55 : vector<4096x256xi32>
    %sign3A_57 = arith.constant 0 : i32
    %sign3A_58 = arith.cmpi sgt, %jit3A_45, %sign3A_57 : i32
    %sign3A_59 = arith.extui %sign3A_58 : i1 to i32
    %sign3A_60 = arith.constant 0 : i32
    %sign3A_61 = arith.cmpi slt, %jit3A_45, %sign3A_60 : i32
    %sign3A_62 = arith.extui %sign3A_61 : i1 to i32
    %sign3A_63 = arith.subi %sign3A_59, %sign3A_62 : i32
    %ne3A_64 = vector.broadcast %sign3A_63 : i32 to vector<4096x256xi32>
    %ne3A_65 = arith.cmpi ne, %sign3A_56, %ne3A_64 : vector<4096x256xi32>
    %rem3A_66 = vector.broadcast %jit3A_45 : i32 to vector<4096x256xi32>
    %rem3A_67 = arith.remsi %select_n3A_44, %rem3A_66 : vector<4096x256xi32>
    %ne3A_68 = arith.constant 0 : i32
    %ne3A_69 = vector.broadcast %ne3A_68 : i32 to vector<4096x256xi32>
    %ne3A_70 = arith.cmpi ne, %rem3A_67, %ne3A_69 : vector<4096x256xi32>
    %and3A_71 = arith.andi %ne3A_65, %ne3A_70 : vector<4096x256xi1>
    %sub3A_72 = arith.constant 1 : i32
    %sub3A_73 = vector.broadcast %sub3A_72 : i32 to vector<4096x256xi32>
    %sub3A_74 = arith.subi %div3A_47, %sub3A_73 : vector<4096x256xi32>
    %select_n3A_75 = arith.select %and3A_71, %sub3A_74, %div3A_47 : vector<4096x256xi1>, vector<4096x256xi32>
    %add3A_76 = arith.addi %mul3A_25, %select_n3A_75 : vector<4096x256xi32>
    %eq3A_77 = arith.cmpi eq, %add3A_76, %iota3A_0 : vector<4096x256xi32>
    %convert_element_type3A = arith.extui %eq3A_77 : vector<4096x256xi1> to vector<4096x256xi32>
    %convert_element_type3A_78 = arith.sitofp %convert_element_type3A : vector<4096x256xi32> to vector<4096x256xf32>
    %get3A = arith.constant 0 : index
    %get3A_79 = arith.constant 0 : index
    %get3A_80 = arith.constant 0 : index
    %get3A_81 = vector.load %arg1[%get3A, %get3A_79, %get3A_80] : memref<1x256x256xf32, #tpu.memory_space<vmem>>, vector<1x256x256xf32>
    %get3A_82 = vector.shape_cast %get3A_81 : vector<1x256x256xf32> to vector<256x256xf32>
    %dot_general3A = arith.constant dense<0.000000e+00> : vector<256x4096xf32>
    %dot_general3A_83 = tpu.matmul %get3A_82, %convert_element_type3A_78, %dot_general3A {dimension_numbers = #tpu.dot_dimension_numbers<[0], [1], [1], [0], [0, 1, 1, 0], [], []>, transpose_lhs_hint = false} : vector<256x256xf32>, vector<4096x256xf32>, vector<256x4096xf32> -> vector<256x4096xf32>
    %slice3A = vector.extract_strided_slice %dot_general3A_83 {offsets = [0, 0], sizes = [192, 4096], strides = [1, 1]} : vector<256x4096xf32> to vector<192x4096xf32>
    %mul3A_84 = arith.constant 6.250000e-02 : f32
    %mul3A_85 = vector.broadcast %mul3A_84 : f32 to vector<192x4096xf32>
    %mul3A_86 = arith.mulf %slice3A, %mul3A_85 : vector<192x4096xf32>
    %swap3A = arith.constant 0 : index
    %swap3A_87 = arith.constant 0 : index
    %swap3A_88 = arith.constant 0 : index
    %swap3A_89 = vector.load %arg2[%swap3A, %swap3A_87, %swap3A_88] : memref<1x192x4096xf32, #tpu.memory_space<vmem>>, vector<1x192x4096xf32>
    %swap3A_90 = vector.shape_cast %swap3A_89 : vector<1x192x4096xf32> to vector<192x4096xf32>
    %swap3A_91 = vector.shape_cast %mul3A_86 : vector<192x4096xf32> to vector<1x192x4096xf32>
    tpu.vector_store %arg2[%swap3A, %swap3A_87, %swap3A_88], %swap3A_91 {strides = array<i32>} : memref<1x192x4096xf32, #tpu.memory_space<vmem>>, vector<1x192x4096xf32>,
    return
  }
  func.func @transform_0(%arg0: i32) -> (i32, i32, i32) {
    %c0_i32 = arith.constant 0 : i32
    %c0_i32_0 = arith.constant 0 : i32
    %c0_i32_1 = arith.constant 0 : i32
    return %arg0, %c0_i32, %c0_i32_0 : i32, i32, i32
  }
  func.func @transform_1(%arg0: i32) -> (i32, i32, i32) {
    %c0_i32 = arith.constant 0 : i32
    %c0_i32_0 = arith.constant 0 : i32
    %c0_i32_1 = arith.constant 0 : i32
    return %arg0, %c0_i32, %c0_i32_0 : i32, i32, i32
  }
}

module attributes {stable_mosaic.version = 14 : i64} {
  func.func @_stage1_kernel(%arg0: i32, %arg1: memref<1x8x256x256xf32, #tpu.memory_space<vmem>>, %arg2: memref<1x192x4096xf32, #tpu.memory_space<vmem>>, %arg3: memref<1x256x1xi32, #tpu.memory_space<vmem>>, %arg4: memref<1x256x256xf32, #tpu.memory_space<vmem>>) attributes {dimension_semantics = [#tpu.dimension_semantics<arbitrary>], iteration_bounds = array<i64: 4>, scalar_prefetch = 0 : i64, scratch_operands = 0 : i64, tpu.core_type = #tpu.core_type<tc>, window_params = [{transform_indices = @transform_0, window_bounds = array<i64: 1, 8, 256, 256>}, {transform_indices = @transform_1, window_bounds = array<i64: 1, 192, 4096>}, {transform_indices = @transform_2, window_bounds = array<i64: 1, 256, 1>}, {transform_indices = @transform_3, window_bounds = array<i64: 1, 256, 256>}]} {
    %get3A = arith.constant 0 : index
    %get3A_0 = arith.constant 0 : index
    %get3A_1 = arith.constant 0 : index
    %get3A_2 = arith.constant 0 : index
    %get3A_3 = vector.load %arg1[%get3A, %get3A_0, %get3A_1, %get3A_2] : memref<1x8x256x256xf32, #tpu.memory_space<vmem>>, vector<1x1x256x256xf32>
    %get3A_4 = vector.shape_cast %get3A_3 : vector<1x1x256x256xf32> to vector<256x256xf32>
    %get3A_5 = arith.constant 0 : index
    %get3A_6 = arith.constant 1 : index
    %get3A_7 = arith.constant 0 : index
    %get3A_8 = arith.constant 0 : index
    %get3A_9 = vector.load %arg1[%get3A_5, %get3A_6, %get3A_7, %get3A_8] : memref<1x8x256x256xf32, #tpu.memory_space<vmem>>, vector<1x1x256x256xf32>
    %get3A_10 = vector.shape_cast %get3A_9 : vector<1x1x256x256xf32> to vector<256x256xf32>
    %add3A = arith.addf %get3A_4, %get3A_10 : vector<256x256xf32>
    %get3A_11 = arith.constant 0 : index
    %get3A_12 = arith.constant 2 : index
    %get3A_13 = arith.constant 0 : index
    %get3A_14 = arith.constant 0 : index
    %get3A_15 = vector.load %arg1[%get3A_11, %get3A_12, %get3A_13, %get3A_14] : memref<1x8x256x256xf32, #tpu.memory_space<vmem>>, vector<1x1x256x256xf32>
    %get3A_16 = vector.shape_cast %get3A_15 : vector<1x1x256x256xf32> to vector<256x256xf32>
    %add3A_17 = arith.addf %add3A, %get3A_16 : vector<256x256xf32>
    %get3A_18 = arith.constant 0 : index
    %get3A_19 = arith.constant 3 : index
    %get3A_20 = arith.constant 0 : index
    %get3A_21 = arith.constant 0 : index
    %get3A_22 = vector.load %arg1[%get3A_18, %get3A_19, %get3A_20, %get3A_21] : memref<1x8x256x256xf32, #tpu.memory_space<vmem>>, vector<1x1x256x256xf32>
    %get3A_23 = vector.shape_cast %get3A_22 : vector<1x1x256x256xf32> to vector<256x256xf32>
    %add3A_24 = arith.addf %add3A_17, %get3A_23 : vector<256x256xf32>
    %get3A_25 = arith.constant 0 : index
    %get3A_26 = arith.constant 4 : index
    %get3A_27 = arith.constant 0 : index
    %get3A_28 = arith.constant 0 : index
    %get3A_29 = vector.load %arg1[%get3A_25, %get3A_26, %get3A_27, %get3A_28] : memref<1x8x256x256xf32, #tpu.memory_space<vmem>>, vector<1x1x256x256xf32>
    %get3A_30 = vector.shape_cast %get3A_29 : vector<1x1x256x256xf32> to vector<256x256xf32>
    %add3A_31 = arith.addf %add3A_24, %get3A_30 : vector<256x256xf32>
    %get3A_32 = arith.constant 0 : index
    %get3A_33 = arith.constant 5 : index
    %get3A_34 = arith.constant 0 : index
    %get3A_35 = arith.constant 0 : index
    %get3A_36 = vector.load %arg1[%get3A_32, %get3A_33, %get3A_34, %get3A_35] : memref<1x8x256x256xf32, #tpu.memory_space<vmem>>, vector<1x1x256x256xf32>
    %get3A_37 = vector.shape_cast %get3A_36 : vector<1x1x256x256xf32> to vector<256x256xf32>
    %add3A_38 = arith.addf %add3A_31, %get3A_37 : vector<256x256xf32>
    %get3A_39 = arith.constant 0 : index
    %get3A_40 = arith.constant 6 : index
    %get3A_41 = arith.constant 0 : index
    %get3A_42 = arith.constant 0 : index
    %get3A_43 = vector.load %arg1[%get3A_39, %get3A_40, %get3A_41, %get3A_42] : memref<1x8x256x256xf32, #tpu.memory_space<vmem>>, vector<1x1x256x256xf32>
    %get3A_44 = vector.shape_cast %get3A_43 : vector<1x1x256x256xf32> to vector<256x256xf32>
    %add3A_45 = arith.addf %add3A_38, %get3A_44 : vector<256x256xf32>
    %get3A_46 = arith.constant 0 : index
    %get3A_47 = arith.constant 7 : index
    %get3A_48 = arith.constant 0 : index
    %get3A_49 = arith.constant 0 : index
    %get3A_50 = vector.load %arg1[%get3A_46, %get3A_47, %get3A_48, %get3A_49] : memref<1x8x256x256xf32, #tpu.memory_space<vmem>>, vector<1x1x256x256xf32>
    %get3A_51 = vector.shape_cast %get3A_50 : vector<1x1x256x256xf32> to vector<256x256xf32>
    %add3A_52 = arith.addf %add3A_45, %get3A_51 : vector<256x256xf32>
    %mul3A = arith.constant 1.250000e-01 : f32
    %mul3A_53 = vector.broadcast %mul3A : f32 to vector<256x256xf32>
    %mul3A_54 = arith.mulf %add3A_52, %mul3A_53 : vector<256x256xf32>
    %argmax3A = tpu.reduce_index %mul3A_54 {axis = 1 : i32, kind = #tpu.reduction_kind<arg_max>} : vector<256x256xf32> -> vector<256xi32>
    %broadcast_in_dim3A = vector.shape_cast %argmax3A : vector<256xi32> to vector<256x1xi32>
    %mul3A_55 = arith.constant 256 : i32
    %mul3A_56 = arith.muli %arg0, %mul3A_55 : i32
    %add3A_57 = vector.broadcast %mul3A_56 : i32 to vector<256x1xi32>
    %add3A_58 = arith.addi %broadcast_in_dim3A, %add3A_57 : vector<256x1xi32>
    %swap3A = arith.constant 0 : index
    %swap3A_59 = arith.constant 0 : index
    %swap3A_60 = arith.constant 0 : index
    %swap3A_61 = vector.load %arg3[%swap3A, %swap3A_59, %swap3A_60] : memref<1x256x1xi32, #tpu.memory_space<vmem>>, vector<1x256x1xi32>
    %swap3A_62 = vector.shape_cast %swap3A_61 : vector<1x256x1xi32> to vector<256x1xi32>
    %swap3A_63 = vector.shape_cast %add3A_58 : vector<256x1xi32> to vector<1x256x1xi32>
    tpu.vector_store %arg3[%swap3A, %swap3A_59, %swap3A_60], %swap3A_63 {strides = array<i32>} : memref<1x256x1xi32, #tpu.memory_space<vmem>>, vector<1x256x1xi32>,
    %iota3A = tpu.iota {dimensions = array<i32: 0>} : vector<4096x256xi32>
    %iota3A_64 = tpu.iota {dimensions = array<i32: 1>} : vector<4096x256xi32>
    %jit3A = arith.constant 256 : i32
    %div3A = vector.broadcast %jit3A : i32 to vector<4096x256xi32>
    %div3A_65 = arith.divsi %iota3A, %div3A : vector<4096x256xi32>
    %sign3A = arith.constant 0 : i32
    %sign3A_66 = vector.broadcast %sign3A : i32 to vector<4096x256xi32>
    %sign3A_67 = arith.cmpi sgt, %iota3A, %sign3A_66 : vector<4096x256xi32>
    %sign3A_68 = arith.extui %sign3A_67 : vector<4096x256xi1> to vector<4096x256xi32>
    %sign3A_69 = arith.constant 0 : i32
    %sign3A_70 = vector.broadcast %sign3A_69 : i32 to vector<4096x256xi32>
    %sign3A_71 = arith.cmpi slt, %iota3A, %sign3A_70 : vector<4096x256xi32>
    %sign3A_72 = arith.extui %sign3A_71 : vector<4096x256xi1> to vector<4096x256xi32>
    %sign3A_73 = arith.subi %sign3A_68, %sign3A_72 : vector<4096x256xi32>
    %sign3A_74 = arith.constant 0 : i32
    %sign3A_75 = arith.cmpi sgt, %jit3A, %sign3A_74 : i32
    %sign3A_76 = arith.extui %sign3A_75 : i1 to i32
    %sign3A_77 = arith.constant 0 : i32
    %sign3A_78 = arith.cmpi slt, %jit3A, %sign3A_77 : i32
    %sign3A_79 = arith.extui %sign3A_78 : i1 to i32
    %sign3A_80 = arith.subi %sign3A_76, %sign3A_79 : i32
    %ne3A = vector.broadcast %sign3A_80 : i32 to vector<4096x256xi32>
    %ne3A_81 = arith.cmpi ne, %sign3A_73, %ne3A : vector<4096x256xi32>
    %rem3A = vector.broadcast %jit3A : i32 to vector<4096x256xi32>
    %rem3A_82 = arith.remsi %iota3A, %rem3A : vector<4096x256xi32>
    %ne3A_83 = arith.constant 0 : i32
    %ne3A_84 = vector.broadcast %ne3A_83 : i32 to vector<4096x256xi32>
    %ne3A_85 = arith.cmpi ne, %rem3A_82, %ne3A_84 : vector<4096x256xi32>
    %and3A = arith.andi %ne3A_81, %ne3A_85 : vector<4096x256xi1>
    %sub3A = arith.constant 1 : i32
    %sub3A_86 = vector.broadcast %sub3A : i32 to vector<4096x256xi32>
    %sub3A_87 = arith.subi %div3A_65, %sub3A_86 : vector<4096x256xi32>
    %select_n3A = arith.select %and3A, %sub3A_87, %div3A_65 : vector<4096x256xi1>, vector<4096x256xi32>
    %mul3A_88 = arith.constant 16 : i32
    %mul3A_89 = vector.broadcast %mul3A_88 : i32 to vector<4096x256xi32>
    %mul3A_90 = arith.muli %select_n3A, %mul3A_89 : vector<4096x256xi32>
    %jit3A_91 = arith.constant 64 : i32
    %eq3A = arith.constant 0 : i32
    %eq3A_92 = arith.cmpi eq, %jit3A_91, %eq3A : i32
    %jit3A_93 = arith.constant 1 : i32
    %select_n3A_94 = arith.select %eq3A_92, %jit3A_93, %jit3A_91 : i32
    %rem3A_95 = vector.broadcast %select_n3A_94 : i32 to vector<4096x256xi32>
    %rem3A_96 = arith.remsi %iota3A, %rem3A_95 : vector<4096x256xi32>
    %ne3A_97 = arith.constant 0 : i32
    %ne3A_98 = vector.broadcast %ne3A_97 : i32 to vector<4096x256xi32>
    %ne3A_99 = arith.cmpi ne, %rem3A_96, %ne3A_98 : vector<4096x256xi32>
    %lt3A = arith.constant 0 : i32
    %lt3A_100 = vector.broadcast %lt3A : i32 to vector<4096x256xi32>
    %lt3A_101 = arith.cmpi slt, %rem3A_96, %lt3A_100 : vector<4096x256xi32>
    %lt3A_102 = arith.constant 0 : i32
    %lt3A_103 = arith.cmpi slt, %select_n3A_94, %lt3A_102 : i32
    %ne3A_104 = vector.broadcast %lt3A_103 : i1 to vector<4096x256xi1>
    %ne3A_105 = vector.broadcast %ne3A_104 : vector<4096x256xi1> to vector<4096x256xi1>
    %ne3A_106 = arith.xori %lt3A_101, %ne3A_105 : vector<4096x256xi1>
    %and3A_107 = arith.andi %ne3A_106, %ne3A_99 : vector<4096x256xi1>
    %add3A_108 = vector.broadcast %select_n3A_94 : i32 to vector<4096x256xi32>
    %add3A_109 = arith.addi %rem3A_96, %add3A_108 : vector<4096x256xi32>
    %select_n3A_110 = arith.select %and3A_107, %add3A_109, %rem3A_96 : vector<4096x256xi1>, vector<4096x256xi32>
    %jit3A_111 = arith.constant 4 : i32
    %div3A_112 = vector.broadcast %jit3A_111 : i32 to vector<4096x256xi32>
    %div3A_113 = arith.divsi %select_n3A_110, %div3A_112 : vector<4096x256xi32>
    %sign3A_114 = arith.constant 0 : i32
    %sign3A_115 = vector.broadcast %sign3A_114 : i32 to vector<4096x256xi32>
    %sign3A_116 = arith.cmpi sgt, %select_n3A_110, %sign3A_115 : vector<4096x256xi32>
    %sign3A_117 = arith.extui %sign3A_116 : vector<4096x256xi1> to vector<4096x256xi32>
    %sign3A_118 = arith.constant 0 : i32
    %sign3A_119 = vector.broadcast %sign3A_118 : i32 to vector<4096x256xi32>
    %sign3A_120 = arith.cmpi slt, %select_n3A_110, %sign3A_119 : vector<4096x256xi32>
    %sign3A_121 = arith.extui %sign3A_120 : vector<4096x256xi1> to vector<4096x256xi32>
    %sign3A_122 = arith.subi %sign3A_117, %sign3A_121 : vector<4096x256xi32>
    %sign3A_123 = arith.constant 0 : i32
    %sign3A_124 = arith.cmpi sgt, %jit3A_111, %sign3A_123 : i32
    %sign3A_125 = arith.extui %sign3A_124 : i1 to i32
    %sign3A_126 = arith.constant 0 : i32
    %sign3A_127 = arith.cmpi slt, %jit3A_111, %sign3A_126 : i32
    %sign3A_128 = arith.extui %sign3A_127 : i1 to i32
    %sign3A_129 = arith.subi %sign3A_125, %sign3A_128 : i32
    %ne3A_130 = vector.broadcast %sign3A_129 : i32 to vector<4096x256xi32>
    %ne3A_131 = arith.cmpi ne, %sign3A_122, %ne3A_130 : vector<4096x256xi32>
    %rem3A_132 = vector.broadcast %jit3A_111 : i32 to vector<4096x256xi32>
    %rem3A_133 = arith.remsi %select_n3A_110, %rem3A_132 : vector<4096x256xi32>
    %ne3A_134 = arith.constant 0 : i32
    %ne3A_135 = vector.broadcast %ne3A_134 : i32 to vector<4096x256xi32>
    %ne3A_136 = arith.cmpi ne, %rem3A_133, %ne3A_135 : vector<4096x256xi32>
    %and3A_137 = arith.andi %ne3A_131, %ne3A_136 : vector<4096x256xi1>
    %sub3A_138 = arith.constant 1 : i32
    %sub3A_139 = vector.broadcast %sub3A_138 : i32 to vector<4096x256xi32>
    %sub3A_140 = arith.subi %div3A_113, %sub3A_139 : vector<4096x256xi32>
    %select_n3A_141 = arith.select %and3A_137, %sub3A_140, %div3A_113 : vector<4096x256xi1>, vector<4096x256xi32>
    %add3A_142 = arith.addi %mul3A_90, %select_n3A_141 : vector<4096x256xi32>
    %eq3A_143 = arith.cmpi eq, %add3A_142, %iota3A_64 : vector<4096x256xi32>
    %convert_element_type3A = arith.extui %eq3A_143 : vector<4096x256xi1> to vector<4096x256xi32>
    %convert_element_type3A_144 = arith.sitofp %convert_element_type3A : vector<4096x256xi32> to vector<4096x256xf32>
    %get3A_145 = arith.constant 0 : index
    %get3A_146 = arith.constant 0 : index
    %get3A_147 = arith.constant 0 : index
    %get3A_148 = vector.load %arg2[%get3A_145, %get3A_146, %get3A_147] : memref<1x192x4096xf32, #tpu.memory_space<vmem>>, vector<1x192x4096xf32>
    %get3A_149 = vector.shape_cast %get3A_148 : vector<1x192x4096xf32> to vector<192x4096xf32>
    %broadcast_in_dim3A_150 = arith.constant 0.000000e+00 : f32
    %broadcast_in_dim3A_151 = vector.broadcast %broadcast_in_dim3A_150 : f32 to vector<64x4096xf32>
    %concatenate3A = tpu.concatenate %get3A_149, %broadcast_in_dim3A_151 in 0 : vector<192x4096xf32>, vector<64x4096xf32> -> vector<256x4096xf32>
    %dot_general3A = arith.constant dense<0.000000e+00> : vector<256x256xf32>
    %dot_general3A_152 = tpu.matmul %convert_element_type3A_144, %concatenate3A, %dot_general3A {dimension_numbers = #tpu.dot_dimension_numbers<[0], [1], [1], [0], [0, 1, 1, 0], [], []>, transpose_lhs_hint = false} : vector<4096x256xf32>, vector<256x4096xf32>, vector<256x256xf32> -> vector<256x256xf32>
    %swap3A_153 = arith.constant 0 : index
    %swap3A_154 = arith.constant 0 : index
    %swap3A_155 = arith.constant 0 : index
    %swap3A_156 = vector.load %arg4[%swap3A_153, %swap3A_154, %swap3A_155] : memref<1x256x256xf32, #tpu.memory_space<vmem>>, vector<1x256x256xf32>
    %swap3A_157 = vector.shape_cast %swap3A_156 : vector<1x256x256xf32> to vector<256x256xf32>
    %swap3A_158 = vector.shape_cast %dot_general3A_152 : vector<256x256xf32> to vector<1x256x256xf32>
    tpu.vector_store %arg4[%swap3A_153, %swap3A_154, %swap3A_155], %swap3A_158 {strides = array<i32>} : memref<1x256x256xf32, #tpu.memory_space<vmem>>, vector<1x256x256xf32>,
    return
  }
  func.func @transform_0(%arg0: i32) -> (i32, i32, i32, i32) {
    %c0_i32 = arith.constant 0 : i32
    %c0_i32_0 = arith.constant 0 : i32
    %c0_i32_1 = arith.constant 0 : i32
    %c0_i32_2 = arith.constant 0 : i32
    return %arg0, %c0_i32, %c0_i32_0, %c0_i32_1 : i32, i32, i32, i32
  }
  func.func @transform_1(%arg0: i32) -> (i32, i32, i32) {
    %c0_i32 = arith.constant 0 : i32
    %c0_i32_0 = arith.constant 0 : i32
    %c0_i32_1 = arith.constant 0 : i32
    return %arg0, %c0_i32, %c0_i32_0 : i32, i32, i32
  }
  func.func @transform_2(%arg0: i32) -> (i32, i32, i32) {
    %c0_i32 = arith.constant 0 : i32
    %c0_i32_0 = arith.constant 0 : i32
    %c0_i32_1 = arith.constant 0 : i32
    return %arg0, %c0_i32, %c0_i32_0 : i32, i32, i32
  }
  func.func @transform_3(%arg0: i32) -> (i32, i32, i32) {
    %c0_i32 = arith.constant 0 : i32
    %c0_i32_0 = arith.constant 0 : i32
    %c0_i32_1 = arith.constant 0 : i32
    return %arg0, %c0_i32, %c0_i32_0 : i32, i32, i32
  }
}

</mosaic_0001>

<sc_bundles>
// kernel: kernel.5.cloned.1.call-start
scs
__scs_entry_jumppad:
0x0: {  	(pc) =	sbr.rel $0x88, $3  }
0x1: {  	(tag) =	ssettag $0x0;
	lr =	simm.s32 $0x1  }
0x2: {  	[smem:$0x3F9F] =	sst lr;
	_ =	strace $0xD0000000  }
0x3: {  	_ = 	snop  }
0x4: {  	_ = 	snop  }
0x5: {  	_ = 	snop  }
0x6: {  	_ = 	snop  }
0x7: {  	_ = 	snop  }
__scs_overlays_trampoline_lowered:
0x8: {  	[smem:$0x3FAE] =	sst s0  }
0x9: {  	[smem:$0x3FAF] =	sst s1  }
0xa: {  	[smem:$0x3FB0] =	sst s2  }
0xb: {  	[smem:$0x3FB1] =	sst s3  }
0xc: {  	[smem:$0x3FB2] =	sst s4  }
0xd: {  	[smem:$0x3FB3] =	sst s5  }
0xe: {  	[smem:$0x3FB4] =	sst s6  }
0xf: {  	[smem:$0x3FB5] =	sst s7  }
0x10: {  	[smem:$0x3FB6] =	sst s8  }
0x11: {  	[smem:$0x3FB7] =	sst s9;
	s0 =	simm.s32 @!p0 $0x0  }
0x12: {  	s1 =	sld [smem:$0x3F9D];
	s0 =	simm.s32 @p0 $0x1  }
0x13: {  	[smem:$0x3FB8] =	sst s0;
	s0 =	simm.s32 @!p1 $0x0  }
0x14: {  	s2 =	sld [smem:$0x3F9C];
	s0 =	simm.s32 @p1 $0x1  }
0x15: {  	[smem:$0x3FB9] =	sst s0;
	s0 =	simm.s32 @!p2 $0x0  }
0x16: {  	s3 =	sld [smem:$0x3FDB];
	s0 =	simm.s32 @p2 $0x1  }
0x17: {  	s4 =	simm.s32 $0x1BF5;
	[smem:$0x3FBB] =	sst s0  }
0x18: {  	s0 =	sld [smem:$0x3F9E];
	_ =	swait.ge [sflag:s4], $0x0  }
0x19: {  	s7 =	sld [smem:$0x3F9F]  }
0x1a: {  	s8 =	sadd.s32 $0xFFFFE003, lr  }
0x1b: {  	s9 =	sadd.s32 $0xFFFFFEF7, lr;
	s5 =	simm.s32 $0xFFFFFFFF;
	p2 =	slt.u32 s8, $0xFFFFF086  }
0x1c: {  	p1 =	slt.u32 s9, $0xF7A;
	s5 =	simm.s32 @!p2 $0x0  }
0x1d: {  	s5 =	simm.s32 @p1 $0x1;
	p0 =	seq.s32 s7, s2  }
0x1e: {  	s7 =	smul.u32 @!p0 $0xF7A, s2;
	p2 =	seq.s32 @!p0 s5, $0x0  }
0x1f: {  	s9 =	smul.u32 $0xF7A, s1;
	s8 =	simm.s32 @!p0 $0x1BF5;
	p2 =	por !p2, p0  }
0x20: {  	[sflag:s8] =	ssyncset.s32 @!p0 $0xFFFFF086;
	s6 =	sadd.s32 @!p0 s3, s7;
	s7 =	simm.s32 @!p0 $0x108  }
0x21: {  	s3 =	sadd.s32 s3, s9;
	s6 =	sadd.s32 @!p0 $0x88, s6;
	s7 =	simm.s32 @p2 $0x1082  }
0x22: {  	[simem:s7], [sflag:s8] =	dma.local @!p0 [hbm:s6], $0xF7A  }
0x23: {  	s9 =	sor.u32 $0xD0000000, s2;
	s6 =	simm.s32 $0x108;
	_ =	swait.ge @!p0 [sflag:s8], $0x0  }
0x24: {  	s3 =	sadd.s32 $0x88, s3;
	s6 =	simm.s32 @!p1 $0x1082;
	[sflag:s4] =	ssyncset.s32 $0xFFFFF086  }
0x25: {  	[simem:s6], [sflag:s4] =	dma.local [hbm:s3], $0xF7A  }
0x26: {  	[smem:$0x3F9F] =	sst s1;
	(tag) =	ssettag s2;
	_ =	strace s9  }
0x27: {  	s1 =	sld [smem:$0x3FAF]  }
0x28: {  	s2 =	sld [smem:$0x3FB0]  }
0x29: {  	s4 =	sld [smem:$0x3FB2]  }
0x2a: {  	p0 =	seq.s32 s5, $0x0;
	s5 =	sld [smem:$0x3FB3]  }
0x2b: {  	s6 =	sld [smem:$0x3FB4]  }
0x2c: {  	s7 =	sld [smem:$0x3FB5]  }
0x2d: {  	s3 =	simm.s32 $0x108;
	s8 =	sld [smem:$0x3FB6]  }
0x2e: {  	s3 =	simm.s32 @!p0 $0x1082;
	s9 =	sld [smem:$0x3FB7]  }
0x2f: {  	lr =	sadd.s32 s0, s3;
	s0 =	sld [smem:$0x3FAE]  }
0x30: {  	s3 =	sld [smem:$0x3FB1]  }
0x31: {  	[smem:$0x3FBA] =	sst s10  }
0x32: {  	s10 =	sld [smem:$0x3FB8];
	_ =	sdelay $0x3  }
0x33: {  	p0 =	seq.s32 s10, $0x1;
	s10 =	sld [smem:$0x3FBA];
	_ =	sdelay $0x3  }
0x34: {  	[smem:$0x3FBA] =	sst s10  }
0x35: {  	s10 =	sld [smem:$0x3FB9];
	_ =	sdelay $0x3  }
0x36: {  	p1 =	seq.s32 s10, $0x1;
	s10 =	sld [smem:$0x3FBA];
	_ =	sdelay $0x3  }
0x37: {  	[smem:$0x3FBA] =	sst s10  }
0x38: {  	s10 =	sld [smem:$0x3FBB]  }
0x39: {  	_ = 	snop;
	(pc) =	sbr.ind lr, $3  }
0x3a: {  	_ = 	snop  }
0x3b: {  	_ = 	snop  }
0x3c: {  	p2 =	seq.s32 s10, $0x1;
	s10 =	sld [smem:$0x3FBA]  }
0x3d: {  	_ =	shalt  }
0x3e: {  	_ =	shalt  }
0x3f: {  	_ =	shalt  }
0x40: {  	_ =	shalt  }
0x41: {  	_ =	shalt  }
0x42: {  	_ =	shalt  }
0x43: {  	_ =	shalt  }
0x44: {  	_ =	shalt  }
0x45: {  	_ =	shalt  }
0x46: {  	_ =	shalt  }
0x47: {  	_ =	shalt  }
0x48: {  	_ =	shalt  }
0x49: {  	_ =	shalt  }
0x4a: {  	_ =	shalt  }
0x4b: {  	_ =	shalt  }
0x4c: {  	_ =	shalt  }
0x4d: {  	_ =	shalt  }
0x4e: {  	_ =	shalt  }
0x4f: {  	_ =	shalt  }
0x50: {  	_ =	shalt  }
0x51: {  	_ =	shalt  }
0x52: {  	_ =	shalt  }
0x53: {  	_ =	shalt  }
0x54: {  	_ =	shalt  }
0x55: {  	_ =	shalt  }
0x56: {  	_ =	shalt  }
0x57: {  	_ =	shalt  }
0x58: {  	_ =	shalt  }
0x59: {  	_ =	shalt  }
0x5a: {  	_ =	shalt  }
0x5b: {  	_ =	shalt  }
0x5c: {  	_ =	shalt  }
0x5d: {  	_ =	shalt  }
0x5e: {  	_ =	shalt  }
0x5f: {  	_ =	shalt  }
0x60: {  	_ =	shalt  }
0x61: {  	_ =	shalt  }
0x62: {  	_ =	shalt  }
0x63: {  	_ =	shalt  }
0x64: {  	_ =	shalt  }
0x65: {  	_ =	shalt  }
0x66: {  	_ =	shalt  }
0x67: {  	_ =	shalt  }
0x68: {  	_ =	shalt  }
0x69: {  	_ =	shalt  }
0x6a: {  	_ =	shalt  }
0x6b: {  	_ =	shalt  }
0x6c: {  	_ =	shalt  }
0x6d: {  	_ =	shalt  }
0x6e: {  	_ =	shalt  }
0x6f: {  	_ =	shalt  }
0x70: {  	_ =	shalt  }
0x71: {  	_ =	shalt  }
0x72: {  	_ =	shalt  }
0x73: {  	_ =	shalt  }
0x74: {  	_ =	shalt  }
0x75: {  	_ =	shalt  }
0x76: {  	_ =	shalt  }
0x77: {  	_ =	shalt  }
0x78: {  	_ =	shalt  }
0x79: {  	_ =	shalt  }
0x7a: {  	_ =	shalt  }
0x7b: {  	_ =	shalt  }
0x7c: {  	_ =	shalt  }
0x7d: {  	_ =	shalt  }
0x7e: {  	_ =	shalt  }
0x7f: {  	_ =	shalt  }
0x80: {  	_ =	shalt  }
0x81: {  	_ =	shalt  }
0x82: {  	_ =	shalt  }
0x83: {  	_ =	shalt  }
0x84: {  	_ =	shalt  }
0x85: {  	_ =	shalt  }
0x86: {  	_ =	shalt  }
0x87: {  	_ =	shalt  }
.Lfunc_end0:
.L_simem_size_0:
called_computation_lowered:
.L_overlay_start_0:
0x88: {  	s2 =	sld [smem:$0x3FD9]  }
0x89: {  	s3 =	sld [smem:$0x3FFE];
	_ =	sdelay $0x1  }
0x8a: {  	s1 =	srdreg.scid  }
0x8b: {  	s0 =	sand.u32 $0x1, s1  }
0x8c: {  	s17 =	sshll.u32 s0, $0xA;
	s2 =	sadd.s32 s3, s2  }
0x8d: {  	s2 =	sadd.s32 s2, s17  }
0x8e: {  	[smem:$0x3FC6] =	sst s2  }
0x8f: {  	_ = 	snop  }
0x90: {  	s2 =	sld [smem:$0x3FD0];
	(tm) =	ssettm $0x1  }
0x91: {  	s18 =	sld [smem:$0x3FFB];
	_ =	sdelay $0x3  }
0x92: {  	_ =	strace s18  }
0x93: {  	s3 =	sld [smem:$0x3FFC];
	_ =	sdelay $0x3  }
0x94: {  	_ =	strace s3  }
0x95: {  	s3 =	sld [smem:$0x3FFD];
	_ =	sdelay $0x3  }
0x96: {  	_ =	strace s3  }
0x97: {  	_ =	strace $0x8FFFFFFF  }
0x98: {  	s19 =	sld [smem:$0x3FDB];
	_ =	sdelay $0x1  }
0x99: {  	s4 =	simm.s32 $_scs_section_size  }
0x9a: {  	s5 =	simm.s32 $_size__tile_overlayer_lowered;
	s6 =	simm.s32 $_tile_overlayer_lowered  }
0x9b: {  	s22 =	simm.s32 $0x1BFF;
	s21 =	sshll.u32 s6, $0x1;
	s3 =	sadd.s32 s4, s19  }
0x9c: {  	s7 =	simm.s32 $0x0;
	s20 =	sshll.u32 s5, $0x1;
	s5 =	sadd.s32 s21, s3  }
0x9d: {  	[timem:s7], [sflag:s22] =	dma.local [hbm:s5], s20  }
0x9e: {  	_ =	swait.ge [sflag:s22], s20  }
0x9f: {  	s4 =	ssub.s32 $0x0, s20;
	[sflag:s22] =	ssyncset.done $0x0  }
0xa0: {  	[sflag:s22] =	ssyncadd.s32 s4;
	_ =	sdelay $0x1  }
0xa1: {  	s23 =	simm.s32 $0x1B8B  }
0xa2: {  	_ =	swait.ge [sflag:s23], $0x1  }
0xa3: {  	[sflag:s23] =	ssyncset.done $0x0  }
0xa4: {  	s25 =	simm.s32 $0x1B8E;
	s24 =	sld [smem:$0x3FFE];
	[sflag:s23] =	ssyncadd.s32 $0xFFFFFFFF  }
0xa5: {  	s26 =	simm.s32 $execute0_lowered;
	[smem:$0x3FD2] =	sst s25  }
0xa6: {  	s5 =	sshll.u32 s26, $0x1;
	_ =	strace $0x80000046;
	[dreg:$0x1] =	wrdreg $0xFFFFFFFF  }
0xa7: {  	s28 =	simm.s32 $_size_execute0_lowered;
	s3 =	sadd.s32 s3, s5;
	[dreg:$0x0] =	wrdreg $0x0  }
0xa8: {  	s5 =	sshll.u32 s28, $0x1;
	[dreg:$0x2] =	wrdreg s3  }
0xa9: {  	[dreg:$0x3] =	wrdreg s5  }
0xaa: {  	[dreg:$0x4] =	wrdreg $0xC0  }
0xab: {  	_ =	task [dreg:s7], $0x5FFFF  }
0xac: {  	[dreg:$0x1] =	wrdreg $0xFFFFFFFF  }
0xad: {  	[dreg:$0x0] =	wrdreg $0x60  }
0xae: {  	[dreg:$0x2] =	wrdreg s2  }
0xaf: {  	[dreg:$0x3] =	wrdreg s24  }
0xb0: {  	[dreg:$0x4] =	wrdreg $0x9  }
0xb1: {  	_ =	task.clear_ibuf [dreg:s7], $0x5FFFF;
	_ =	strace $0x90000046  }
0xb2: {  	s29 =	simm.s32 $0x9;
	_ =	strace $0x80000048  }
0xb3: {  	_ =	swait.ge [sflag:s29], $0x1  }
0xb4: {  	[sflag:s29] =	ssyncadd.s32 $0xFFFFFFFF  }
0xb5: {  	_ =	strace $0x90000048  }
0xb6: {  	_ =	sfence  }
0xb7: {  	s30 =	sld [smem:$0x0];
	_ =	sdelay $0x2  }
0xb8: {  	s31 =	sshll.u32 s1, $0xD;
	s1 =	sshrl.u32 s1, $0x2  }
0xb9: {  	s3 =	sand.u32 $0x4000, s31;
	s1 =	sadd.s32 s1, s30  }
0xba: {  	s0 =	sor.u32 s3, s0;
	s1 =	sshll.u32 s1, $0x11  }
0xbb: {  	s0 =	sor.u32 s1, s0  }
0xbc: {  	s0 =	sadd.s32 $0x8F2B, s0  }
0xbd: {  	[sflag:s0] =	ssyncadd.remote.s32 $0x1  }
0xbe: {  	_ =	sfence.sel $0xFFFF  }
0xbf: {  	[dreg:$0x0] =	wrdreg $0xFFFFFFFF;
	(pc) =	sbr.abs _section_cstart, $3  }
0xc0: {  	[dreg:$0x1] =	wrdreg $0xFFFFFFFF  }
0xc1: {  	_ =	task.clear_ibuf [dreg:s7], $0x2FFFF;
	_ =	strace $0x9FFFFFFF  }
0xc2: {  	(tm) =	ssettm $0x7FFFFFFF  }
0xc3: {  	_ =	shalt  }
tec
execute0_lowered:
.L_overlay_start_1:
0x0: {  	(tag) =	ssettag $0x1  }
0x1: {  	s1 =	rddreg [dreg:$0x0]  }
0x2: {  	s4 =	rddreg [dreg:$0x1]  }
0x3: {  	s0 =	rddreg [dreg:$0x2];
	s5 =	srdreg.scid  }
0x4: {  	s3 =	simm.s32 $0x0;
	s2 =	stileid.u32;
	s9 =	simm.s32 $0x880  }
0x5: {  	s10 =	simm.s32 $0x1080;
	s11 =	simm.s32 $0x1880;
	s5 =	sand.u32 $0x1, s5  }
0x6: {  	[smem:$0x7FF] =	sst s3;
	s6 =	sshll.u32 s2, $0x6;
	s7 =	sshll.u32 s5, $0x5  }
0x7: {  	s12 =	simm.s32 $0x1;
	_ =	strace $0x80000047;
	s6 =	sor.u32 s7, s6  }
0x8: {  	s5 =	ssub.s32 $0x2, s5;
	s7 =	sshrl.u32 s6, $0x3;
	s6 =	sshll.u32 s6, $0x5  }
0x9: {  	v2 =	vlaneseq.u32;
	s8 =	sshrl.u32 s5, $0x1;
	s7 =	sadd.s32 s7, s4;
	s6 =	sadd.s32 s6, s4  }
0xa: {  	vm0 =	vmmov $0xffff;
	v1 =	vshrl.u32 v2, $0x3;
	s8 =	ssub.s32 s5, s8;
	s4 =	sadd.s32 $0x800, s7;
	s5 =	sadd.s32 $0xA00, s6  }
0xb: {  	v0 =	vand.u32 $0x7, v2;
	v2 =	vor.u32 $0x8, v2;
	v1 =	vmul.u32 $0x8, v1;
	s6 =	smax.u32 s8, $0x1;
	s7 =	simm.s32 $0x2;
	s8 =	simm.s32 $0x80  }
.LBB2_1:
0xc: {  	[tilespmem:s3], [sflag:$0x2] =	stream.linear.gather [hbm4b:s4+s3], $0x20, $0x38;
	[tilespmem:$0x2080] =	vst v63  }
0xd: {  	_ =	swait.ge [sflag:s7], $0x20  }
0xe: {  	[sflag:s7] =	ssyncset.done $0x0  }
0xf: {  	[sflag:s7] =	ssyncadd.s32 $0xFFFFFFE0  }
0x10: {  	v3 =	vld [tilespmem:$0x0];
	_ =	sdelay $0x4  }
0x11: {  	v4 =	vshll.u32 v3, $0x1  }
0x12: {  	v3 =	vand.u32 $0x7, v3;
	v4 =	vand.u32 $0xFFFFFFF0, v4  }
0x13: {  	v3 =	vor.u32 v3, v4  }
0x14: {  	v4 =	vperm.xlane v3, v0;
	_ =	sdelay $0x1  }
0x15: {  	v3 =	vperm.xlane v3, v2;
	v4 =	vadd.s32 v1, v4;
	_ =	sdelay $0x1  }
0x16: {  	v3 =	vadd.s32 v1, v3;
	_ =	sdelay $0x2  }
0x17: {  	[tilespmem:s8], [sflag:$0x1] =	stream.indirect_vreg.gather [hbm4b:s1+s3], $0x80, v4, vm0, $0xb8;
	[tilespmem:$0x2080] =	vst v63  }
0x18: {  	_ = 	snop  }
0x19: {  	[tilespmem:s9], [sflag:$0x1] =	stream.indirect_vreg.gather [hbm4b:s1+s3], $0x80, v3, vm0, $0xb8;
	[tilespmem:$0x2080] =	vst v63  }
0x1a: {  	v3 =	vld [tilespmem:$0x10];
	_ =	sdelay $0x4  }
0x1b: {  	v63 =	vshll.u32 v3, $0x1  }
0x1c: {  	v3 =	vand.u32 $0x7, v3;
	v4 =	vand.u32 $0xFFFFFFF0, v63  }
0x1d: {  	v3 =	vor.u32 v3, v4  }
0x1e: {  	v4 =	vperm.xlane v3, v0;
	_ =	sdelay $0x1  }
0x1f: {  	v3 =	vperm.xlane v3, v2;
	v4 =	vadd.s32 v1, v4;
	_ =	sdelay $0x1  }
0x20: {  	v3 =	vadd.s32 v1, v3;
	_ =	sdelay $0x2  }
0x21: {  	[tilespmem:s10], [sflag:$0x1] =	stream.indirect_vreg.gather [hbm4b:s1+s3], $0x80, v4, vm0, $0xb8;
	[tilespmem:$0x2080] =	vst v63  }
0x22: {  	_ = 	snop  }
0x23: {  	[tilespmem:s11], [sflag:$0x1] =	stream.indirect_vreg.gather [hbm4b:s1+s3], $0x80, v3, vm0, $0xb8;
	[tilespmem:$0x2080] =	vst v63  }
0x24: {  	_ =	swait.ge [sflag:s12], $0x2000  }
0x25: {  	p0 =	sne.s32 s6, $0x1;
	[sflag:s12] =	ssyncset.done $0x0  }
.Ltmp0:
0x26: {  	[sflag:s12] =	ssyncadd.s32 $0xFFFFE000;
	(pc) =	sbr.rel @p0 .LBB2_1-.Ltmp0, $4  }
0x27: {  	[hbm4b:s5+s3] =	stream.linear.scatter [tilespmem:s8], [sflag:$0x2], $0x2000, $0x38;
	[tilespmem:$0x2080] =	vst v63  }
0x28: {  	_ =	swait.ge [sflag:s7], $0x2000  }
0x29: {  	[sflag:s7] =	ssyncset.done $0x0  }
0x2a: {  	s6 =	sadd.s32 $0xFFFFFFFF, s6;
	[sflag:s7] =	ssyncadd.s32 $0xFFFFE000  }
0x2b: {  	_ =	sfence.sel $0x180000  }
0x2c: {  	[bflag:$0x0] =	sbarrier.arrive $0xFFFF  }
0x2d: {  	p0 =	sne.s32 s2, $0x0;
	_ =	strace $0x90000047  }
0x2e: {  	s0 =	sadd.s32 @!p0 $0x100000, s0;
	[bflag:$0x2] =	sbarrier.arrive $0xFFFF  }
0x2f: {  	[sflag:s0] =	ssyncadd.tile.s32 @!p0 $0x1;
	_ =	shalt  }
.Lfunc_end2:
_tile_overlayer_lowered:
.L_overlay_start_2:
0x30: {  	(tag) =	ssettag $0x2  }
0x31: {  	s0 =	rddreg [dreg:$0x0];
	s2 =	stileid.u32  }
0x32: {  	s1 =	rddreg [dreg:$0x1];
	p0 =	sne.s32 s2, $0x0  }
0x33: {  	s3 =	rddreg [dreg:$0x2];
	[bflag:$0x3] =	sbarrier.arrive $0xFFFF;
	s2 =	simm.s32 @!p0 $0x1C02  }
0x34: {  	[timem:s3], [sflag:s2] =	dma.local @!p0 [hbm:s0], s1  }
0x35: {  	s0 =	simm.s32 @!p0 $0x2  }
0x36: {  	_ =	swait.ge @!p0 [sflag:s0], s1  }
0x37: {  	s1 =	ssub.s32 @!p0 $0x0, s1;
	[sflag:s0] =	ssyncset.done @!p0 $0x0  }
0x38: {  	[sflag:s0] =	ssyncadd.s32 @!p0 s1  }
0x39: {  	[bflag:$0x3] =	sbarrier.arrive $0xFFFF  }
0x3a: {  	_ =	shalt  }

</sc_bundles>
